<compile_context>
chip_gen: v7x
topology: tpu7x:2x2x1
jax: 0.10.2.dev20260603
libtpu: 0.0.44.dev20260713+nightly
codegen_flags: <defaults>
</compile_context>

<pallas_src>
import functools

import numpy as np
import jax
import jax.numpy as jnp
from jax import lax
from jax.experimental import pallas as pl
from jax.experimental.pallas import tpu as pltpu
from jax.experimental.pallas import tpu_sc as plsc

N_NODES = 10000
N_EDGES = 160000
MUL = 16
NUM_BASIS = 10
FCH = 16
TANH_C = 1.5927116
RELU_C = float(np.sqrt(2.0))

NC, NS = 2, 16
NW = NC * NS
EPW = N_EDGES // NW
CH = 40
NCH = EPW // CH
NPW = N_NODES // NS

_mesh = plsc.VectorSubcoreMesh(core_axis_name="c", subcore_axis_name="s")
_sc_params = pltpu.CompilerParams(use_tc_tiling_on_sc=False)


@functools.partial(
    pl.kernel,
    out_type=(jax.ShapeDtypeStruct((N_EDGES, MUL), jnp.float32),
              jax.ShapeDtypeStruct((N_EDGES, MUL), jnp.float32)),
    mesh=_mesh,
    scratch_types=[
        pltpu.VMEM((EPW,), jnp.int32),
        pltpu.VMEM((EPW, MUL), jnp.float32),
        pltpu.SemaphoreType.DMA,
    ],
    compiler_params=_sc_params,
)
def _gather(x_hbm, src_hbm, dst_hbm, xs_out, xd_out, idx_v, rows_v, sem):
    wid = lax.axis_index("s") * NC + lax.axis_index("c")
    base = wid * EPW
    pltpu.sync_copy(src_hbm.at[pl.ds(base, EPW)], idx_v)
    pltpu.async_copy(x_hbm.at[idx_v], rows_v, sem).wait()
    pltpu.sync_copy(rows_v, xs_out.at[pl.ds(base, EPW)])
    pltpu.sync_copy(dst_hbm.at[pl.ds(base, EPW)], idx_v)
    pltpu.async_copy(x_hbm.at[idx_v], rows_v, sem).wait()
    pltpu.sync_copy(rows_v, xd_out.at[pl.ds(base, EPW)])


BE = 8000

_S_SUM = np.zeros((FCH * MUL, MUL), np.float32)
for _k in range(MUL):
    _S_SUM[_k * FCH:(_k + 1) * FCH, _k] = 1.0


BP = BE // 8
EP8 = N_EDGES // 8


def _dense_body(xs_ref, xd_ref, emb_ref, norm_ref, w1t8_ref, m8s_ref,
                m8d_ref, sp_ref, out_ref):
    hh = RELU_C * jnp.maximum(
        jnp.dot(emb_ref[...], w1t8_ref[...], preferred_element_type=jnp.float32),
        0.0)
    y = (jnp.dot(xs_ref[...], m8s_ref[...], preferred_element_type=jnp.float32)
         + jnp.dot(xd_ref[...], m8d_ref[...], preferred_element_type=jnp.float32))
    tp = jnp.dot(hh * y, sp_ref[...], preferred_element_type=jnp.float32)
    out_ref[...] = TANH_C * jnp.tanh(tp) * norm_ref[...]


_dense = pl.pallas_call(
    _dense_body,
    grid=(EP8 // BP,),
    in_specs=[
        pl.BlockSpec((BP, 128), lambda i: (i, 0)),
        pl.BlockSpec((BP, 128), lambda i: (i, 0)),
        pl.BlockSpec((BP, 8 * NUM_BASIS), lambda i: (i, 0)),
        pl.BlockSpec((BP, 128), lambda i: (i, 0)),
        pl.BlockSpec((8 * NUM_BASIS, 8 * FCH * MUL), lambda i: (0, 0)),
        pl.BlockSpec((128, 8 * FCH * MUL), lambda i: (0, 0)),
        pl.BlockSpec((128, 8 * FCH * MUL), lambda i: (0, 0)),
        pl.BlockSpec((8 * FCH * MUL, 128), lambda i: (0, 0)),
    ],
    out_specs=pl.BlockSpec((BP, 128), lambda i: (i, 0)),
    out_shape=jax.ShapeDtypeStruct((EP8, 128), jnp.float32),
)


@functools.partial(
    pl.kernel,
    out_type=jax.ShapeDtypeStruct((NC, N_NODES, MUL), jnp.float32),
    mesh=_mesh,
    scratch_types=[
        pltpu.VMEM((NCH, CH), jnp.int32),
        pltpu.VMEM((EPW, MUL), jnp.float32),
        pltpu.VMEM_SHARED((N_NODES, MUL), jnp.float32),
        pltpu.SemaphoreType.DMA,
    ],
    compiler_params=_sc_params,
)
def _scatter(ftr_hbm, dst2_hbm, zero_hbm, part_out, idx_v, rows_v, acc_sh, sem):
    c = lax.axis_index("c")
    s = lax.axis_index("s")
    wid = s * NC + c
    base = wid * EPW
    @pl.when(s == 0)
    def _zero():
        pltpu.sync_copy(zero_hbm, acc_sh)

    pltpu.sync_copy(dst2_hbm.at[pl.ds(wid * NCH, NCH)], idx_v)
    pltpu.sync_copy(ftr_hbm.at[pl.ds(base, EPW)], rows_v)
    plsc.subcore_barrier()

    def body(j, carry):
        pltpu.sync_copy(rows_v.at[pl.ds(j * CH, CH)], acc_sh.at[idx_v.at[j]],
                        add=True)
        return carry

    lax.fori_loop(0, NCH, body, 0)
    plsc.subcore_barrier()
    pltpu.sync_copy(acc_sh.at[pl.ds(s * NPW, NPW)],
                    part_out.at[c, pl.ds(s * NPW, NPW)])


def _combine_body(p_ref, out_ref):
    out_ref[...] = p_ref[0] + p_ref[1]


_combine = pl.pallas_call(
    _combine_body,
    in_specs=[pl.BlockSpec((NC, N_NODES, MUL), lambda: (0, 0, 0))],
    out_specs=pl.BlockSpec((N_NODES, MUL), lambda: (0, 0)),
    out_shape=jax.ShapeDtypeStruct((N_NODES, MUL), jnp.float32),
)


def kernel(x, edge_index, edge_vec, emb, norm, W1, W2):
    src = edge_index[0]
    dst = edge_index[1]
    w1s = W1 * (1.0 / np.sqrt(NUM_BASIS))
    w2r = (W2 * (1.0 / np.sqrt(FCH))).reshape(FCH, 2 * MUL, MUL)
    mcat2 = (jnp.transpose(w2r, (1, 2, 0)).reshape(2 * MUL, FCH * MUL)
             * (1.0 / np.sqrt(2 * MUL)))
    w1t = jnp.tile(w1s, (1, MUL))
    eye8 = jnp.eye(8, dtype=jnp.float32)
    w1t8 = jnp.kron(eye8, w1t)
    m8s = jnp.kron(eye8, mcat2[:MUL])
    m8d = jnp.kron(eye8, mcat2[MUL:])
    sp = jnp.asarray(np.kron(np.eye(8, dtype=np.float32), _S_SUM))
    norm8 = jnp.repeat(norm, MUL).reshape(EP8, 128)
    xs, xd = _gather(x, src, dst)
    ftr8 = _dense(xs.reshape(EP8, 128), xd.reshape(EP8, 128),
                  emb.reshape(EP8, 8 * NUM_BASIS), norm8,
                  w1t8, m8s, m8d, sp)
    parts = _scatter(ftr8.reshape(N_EDGES, MUL), dst.reshape(NW * NCH, CH),
                     jnp.zeros((N_NODES, MUL), jnp.float32))
    return _combine(parts)

# --- scband reference (transcript-rebuilt; emitter-appended) ---
"""Pipeline reference for scband-nlmp-54941221650459 (READ-ONLY COPY).

The authoritative reference and input builder live on the scoring server;
editing this copy changes nothing except your own understanding.
"""

import jax, jax.numpy as jnp
import numpy as np

N_NODES = 10000
N_EDGES = 160000
MUL = 16            # multiplicity of 0e in irreps_input/output -> feature dim 16
NUM_BASIS = 10
FCH = 16
W_NUMEL = 2 * MUL * MUL   # FullyConnectedTensorProduct weight_numel = 512
TANH_C = 1.5927116        # e3nn normalize2mom factor for tanh: E[tanh(z)^2]^{-1/2}, z~N(0,1)
RELU_C = float(np.sqrt(2.0))  # normalize2mom factor for relu


def spherical_harmonics_lmax2(vec):
    # e3nn o3.spherical_harmonics(lmax=2, normalize=True, normalization='component')
    r = jnp.linalg.norm(vec, axis=-1, keepdims=True)
    u = vec / jnp.maximum(r, 1e-12)
    x, y, z = u[..., 0], u[..., 1], u[..., 2]
    c1 = np.sqrt(3.0)
    c2 = np.sqrt(15.0)
    c20 = np.sqrt(5.0) / 2.0
    sh = jnp.stack([
        jnp.ones_like(x),            # l=0
        c1 * y, c1 * z, c1 * x,      # l=1 (e3nn order m=-1,0,1 -> y,z,x)
        c2 * x * y,                  # l=2 m=-2
        c2 * y * z,                  # l=2 m=-1
        c20 * (3.0 * z * z - 1.0),   # l=2 m=0
        c2 * x * z,                  # l=2 m=1
        0.5 * c2 * (x * x - y * y),  # l=2 m=2
    ], axis=-1)
    return sh


def setup_inputs(seed: int = 0):
    key = jax.random.key(seed)
    ks = jax.random.split(key, 8)
    x = jax.random.normal(ks[0], (N_NODES, MUL), dtype=jnp.float32)
    edge_index = jax.random.randint(ks[1], (2, N_EDGES), 0, N_NODES, dtype=jnp.int32)
    edge_vec = jax.random.normal(ks[2], (N_EDGES, 3), dtype=jnp.float32)
    emb = jax.random.uniform(ks[3], (N_EDGES, NUM_BASIS), dtype=jnp.float32)
    norm = jax.random.uniform(ks[4], (N_EDGES,), dtype=jnp.float32)
    # learned params: FullyConnectedNet([NUM_BASIS, FCH, W_NUMEL], relu)
    W1 = jax.random.normal(ks[5], (NUM_BASIS, FCH), dtype=jnp.float32)
    W2 = jax.random.normal(ks[6], (FCH, W_NUMEL), dtype=jnp.float32)
    return {"x": x, "edge_index": edge_index, "edge_vec": edge_vec,
            "emb": emb, "norm": norm, "W1": W1, "W2": W2}


def reference(x, edge_index, edge_vec, emb, norm, W1, W2):
    edge_src = edge_index[0]
    edge_dst = edge_index[1]
    sh = spherical_harmonics_lmax2(edge_vec)                     # [E, 9]
    # radial MLP producing per-edge TP weights (e3nn FullyConnectedNet conventions)
    h = RELU_C * jax.nn.relu(emb @ (W1 / np.sqrt(NUM_BASIS)))    # [E, FCH]
    w = h @ (W2 / np.sqrt(FCH))                                  # [E, W_NUMEL]
    w = w.reshape(-1, 2 * MUL, MUL)
    # gather node features for both endpoints of every edge
    x_cat = jnp.concatenate([x[edge_src], x[edge_dst]], axis=1)  # [E, 2*MUL]
    # FullyConnectedTensorProduct(2*'16x0e', '1x0e+1x1o+1x2e', '16x0e'):
    # selection rules keep only 0e (x) 0e -> 0e paths; fan_in = 2*MUL
    tp = jnp.einsum('eu,euw->ew', x_cat, w) * sh[:, 0:1] / np.sqrt(2 * MUL)
    # Gate with no gated (l>0) outputs reduces to normalized tanh on scalars
    gated = TANH_C * jnp.tanh(tp)
    edge_ftr = gated * norm[:, None]
    # scatter(edge_ftr, edge_dst, dim=0, dim_size=num_nodes) -> scatter-add
    out = jnp.zeros((N_NODES, MUL), dtype=x.dtype).at[edge_dst].add(edge_ftr)
    return out

if __name__ == "__main__":
    import jax
    _d = setup_inputs()
    print(jax.jit(kernel)(*tuple(_d.values())))

</pallas_src>

<mosaic_0001>
#map = affine_map<(d0, d1) -> (0, 0)>
#map1 = affine_map<(d0, d1) -> (0, 0, 0)>
module attributes {stable_mosaic.version = 14 : i64} {
  func.func @_scatter(%arg0: i32, %arg1: i32, %arg2: memref<160000x16xf32, #tpu.memory_space<hbm>>, %arg3: memref<4000x40xi32, #tpu.memory_space<hbm>>, %arg4: memref<10000x16xf32, #tpu.memory_space<hbm>>, %arg5: memref<2x10000x16xf32, #tpu.memory_space<hbm>>, %arg6: memref<125x40xi32, #tpu.memory_space<vmem>>, %arg7: memref<5000x16xf32, #tpu.memory_space<vmem>>, %arg8: memref<10000x16xf32, #tpu.memory_space<vmem_shared>>, %arg9: memref<!tpu.dma_semaphore, #tpu.memory_space<semaphore_mem>>) attributes {dimension_semantics = [#tpu.dimension_semantics<core_parallel>, #tpu.dimension_semantics<subcore_parallel>], iteration_bounds = array<i64: 2, 16>, scalar_prefetch = 0 : i64, scratch_operands = 4 : i64, tpu.core_type = #tpu.core_type<sc_vector_subcore>, window_params = [{transform_indices = #map}, {transform_indices = #map}, {transform_indices = #map}, {transform_indices = #map1}]} {
    %mul3A = arith.constant 2 : i32
    %mul3A_0 = arith.muli %arg1, %mul3A : i32
    %add3A = arith.addi %mul3A_0, %arg0 : i32
    %mul3A_1 = arith.constant 5000 : i32
    %mul3A_2 = arith.muli %add3A, %mul3A_1 : i32
    %eq3A = arith.constant 0 : i32
    %eq3A_3 = arith.cmpi eq, %arg1, %eq3A : i32
    %convert_element_type3A = arith.extui %eq3A_3 : i1 to i32
    %cond3A = arith.constant 0 : i32
    %cond3A_4 = arith.cmpi ne, %convert_element_type3A, %cond3A : i32
    scf.if %cond3A_4 {
      "tpu.region"() ({
        %run_scoped3A = tpu.sem_alloc : memref<!tpu.dma_semaphore, #tpu.memory_space<semaphore_mem>>
        tpu.enqueue_dma source(%arg4 : memref<10000x16xf32, #tpu.memory_space<hbm>>) target(%arg8 : memref<10000x16xf32, #tpu.memory_space<vmem_shared>>) target_semaphore(%run_scoped3A : memref<!tpu.dma_semaphore, #tpu.memory_space<semaphore_mem>>)
        tpu.wait_dma2 semaphore(%run_scoped3A : memref<!tpu.dma_semaphore, #tpu.memory_space<semaphore_mem>>) src(%arg4 : memref<10000x16xf32, #tpu.memory_space<hbm>>) dst(%arg8 : memref<10000x16xf32, #tpu.memory_space<vmem_shared>>)
        tpu.yield
      }) : () -> ()
    } else {
    }
    %mul3A_5 = arith.constant 125 : i32
    %mul3A_6 = arith.muli %add3A, %mul3A_5 : i32
    "tpu.region"() ({
      %run_scoped3A = tpu.sem_alloc : memref<!tpu.dma_semaphore, #tpu.memory_space<semaphore_mem>>
      %dma_start3A = arith.constant 0 : i32
      %dma_start3A_17 = tpu.memref_slice %arg3[%mul3A_6, %dma_start3A] : memref<4000x40xi32, #tpu.memory_space<hbm>> -> memref<125x40xi32, #tpu.memory_space<hbm>>
      %dma_start3A_18 = arith.constant 0 : i32
      %dma_start3A_19 = tpu.memref_slice %arg3[%mul3A_6, %dma_start3A_18] : memref<4000x40xi32, #tpu.memory_space<hbm>> -> memref<125x40xi32, #tpu.memory_space<hbm>>
      tpu.enqueue_dma source(%dma_start3A_19 : memref<125x40xi32, #tpu.memory_space<hbm>>) target(%arg6 : memref<125x40xi32, #tpu.memory_space<vmem>>) target_semaphore(%run_scoped3A : memref<!tpu.dma_semaphore, #tpu.memory_space<semaphore_mem>>)
      %dma_wait3A = arith.constant 0 : i32
      %dma_wait3A_20 = tpu.memref_slice %arg3[%mul3A_6, %dma_wait3A] : memref<4000x40xi32, #tpu.memory_space<hbm>> -> memref<125x40xi32, #tpu.memory_space<hbm>>
      %dma_wait3A_21 = arith.constant 0 : i32
      %dma_wait3A_22 = tpu.memref_slice %arg3[%mul3A_6, %dma_wait3A_21] : memref<4000x40xi32, #tpu.memory_space<hbm>> -> memref<125x40xi32, #tpu.memory_space<hbm>>
      tpu.wait_dma2 semaphore(%run_scoped3A : memref<!tpu.dma_semaphore, #tpu.memory_space<semaphore_mem>>) src(%dma_wait3A_22 : memref<125x40xi32, #tpu.memory_space<hbm>>) dst(%arg6 : memref<125x40xi32, #tpu.memory_space<vmem>>)
      tpu.yield
    }) : () -> ()
    "tpu.region"() ({
      %run_scoped3A = tpu.sem_alloc : memref<!tpu.dma_semaphore, #tpu.memory_space<semaphore_mem>>
      %dma_start3A = arith.constant 0 : i32
      %dma_start3A_17 = tpu.memref_slice %arg2[%mul3A_2, %dma_start3A] : memref<160000x16xf32, #tpu.memory_space<hbm>> -> memref<5000x16xf32, #tpu.memory_space<hbm>>
      %dma_start3A_18 = arith.constant 0 : i32
      %dma_start3A_19 = tpu.memref_slice %arg2[%mul3A_2, %dma_start3A_18] : memref<160000x16xf32, #tpu.memory_space<hbm>> -> memref<5000x16xf32, #tpu.memory_space<hbm>>
      tpu.enqueue_dma source(%dma_start3A_19 : memref<5000x16xf32, #tpu.memory_space<hbm>>) target(%arg7 : memref<5000x16xf32, #tpu.memory_space<vmem>>) target_semaphore(%run_scoped3A : memref<!tpu.dma_semaphore, #tpu.memory_space<semaphore_mem>>)
      %dma_wait3A = arith.constant 0 : i32
      %dma_wait3A_20 = tpu.memref_slice %arg2[%mul3A_2, %dma_wait3A] : memref<160000x16xf32, #tpu.memory_space<hbm>> -> memref<5000x16xf32, #tpu.memory_space<hbm>>
      %dma_wait3A_21 = arith.constant 0 : i32
      %dma_wait3A_22 = tpu.memref_slice %arg2[%mul3A_2, %dma_wait3A_21] : memref<160000x16xf32, #tpu.memory_space<hbm>> -> memref<5000x16xf32, #tpu.memory_space<hbm>>
      tpu.wait_dma2 semaphore(%run_scoped3A : memref<!tpu.dma_semaphore, #tpu.memory_space<semaphore_mem>>) src(%dma_wait3A_22 : memref<5000x16xf32, #tpu.memory_space<hbm>>) dst(%arg7 : memref<5000x16xf32, #tpu.memory_space<vmem>>)
      tpu.yield
    }) : () -> ()
    %barrier3A = arith.constant 0 : index
    tpu.barrier barrier_id(%barrier3A)
    %scan3A = arith.constant 0 : i32
    %scan3A_7 = arith.constant 0 : i32
    %scan3A_8 = arith.constant 125 : i32
    %scan3A_9 = arith.addi %scan3A_7, %scan3A_8 : i32
    %scan3A_10 = arith.constant 1 : i32
    scf.for %scan3A_17 = %scan3A_7 to %scan3A_9 step %scan3A_10  : i32 {
      %mul3A_18 = arith.constant 40 : i32
      %mul3A_19 = arith.muli %scan3A_17, %mul3A_18 : i32
      "tpu.region"() ({
        %run_scoped3A = tpu.sem_alloc : memref<!tpu.dma_semaphore, #tpu.memory_space<semaphore_mem>>
        %dma_start3A = arith.constant 0 : i32
        %dma_start3A_20 = tpu.memref_slice %arg7[%mul3A_19, %dma_start3A] : memref<5000x16xf32, #tpu.memory_space<vmem>> -> memref<40x16xf32, #tpu.memory_space<vmem>>
        %dma_start3A_21 = arith.constant 0 : i32
        %dma_start3A_22 = tpu.memref_slice %arg6[%scan3A_17, %dma_start3A_21] : memref<125x40xi32, #tpu.memory_space<vmem>> -> memref<1x40xi32, #tpu.memory_space<vmem>>
        %dma_start3A_23 = tpu.memref_squeeze %dma_start3A_22 : memref<1x40xi32, #tpu.memory_space<vmem>> -> memref<40xi32, #tpu.memory_space<vmem>>
        %dma_start3A_24 = arith.constant 0 : i32
        %dma_start3A_25 = arith.constant 0 : i32
        %dma_start3A_26 = tpu.memref_slice %arg8[%dma_start3A_24, %dma_start3A_25] : memref<10000x16xf32, #tpu.memory_space<vmem_shared>> -> memref<10000x16xf32, #tpu.memory_space<vmem_shared>>
        tpu.enqueue_indirect_dma source(%dma_start3A_20 : memref<40x16xf32, #tpu.memory_space<vmem>>) target(%dma_start3A_26 : memref<10000x16xf32, #tpu.memory_space<vmem_shared>>) offsets(%dma_start3A_23 : memref<40xi32, #tpu.memory_space<vmem>>) semaphore(%run_scoped3A : memref<!tpu.dma_semaphore, #tpu.memory_space<semaphore_mem>>) {add = true}
        %dma_wait3A = arith.constant 0 : i32
        %dma_wait3A_27 = tpu.memref_slice %arg7[%mul3A_19, %dma_wait3A] : memref<5000x16xf32, #tpu.memory_space<vmem>> -> memref<40x16xf32, #tpu.memory_space<vmem>>
        %dma_wait3A_28 = arith.constant 0 : i32
        %dma_wait3A_29 = tpu.memref_slice %arg6[%scan3A_17, %dma_wait3A_28] : memref<125x40xi32, #tpu.memory_space<vmem>> -> memref<1x40xi32, #tpu.memory_space<vmem>>
        %dma_wait3A_30 = tpu.memref_squeeze %dma_wait3A_29 : memref<1x40xi32, #tpu.memory_space<vmem>> -> memref<40xi32, #tpu.memory_space<vmem>>
        %dma_wait3A_31 = arith.constant 0 : i32
        %dma_wait3A_32 = arith.constant 0 : i32
        %dma_wait3A_33 = tpu.memref_slice %arg8[%dma_wait3A_31, %dma_wait3A_32] : memref<10000x16xf32, #tpu.memory_space<vmem_shared>> -> memref<10000x16xf32, #tpu.memory_space<vmem_shared>>
        tpu.wait_indirect_dma semaphore(%run_scoped3A : memref<!tpu.dma_semaphore, #tpu.memory_space<semaphore_mem>>) src(%dma_wait3A_27 : memref<40x16xf32, #tpu.memory_space<vmem>>) dst(%dma_wait3A_33 : memref<10000x16xf32, #tpu.memory_space<vmem_shared>>)
        tpu.yield
      }) : () -> ()
    }
    %scan3A_11 = arith.constant 125 : i32
    %barrier3A_12 = arith.constant 0 : index
    tpu.barrier barrier_id(%barrier3A_12)
    %mul3A_13 = arith.constant 625 : i32
    %mul3A_14 = arith.muli %arg1, %mul3A_13 : i32
    %mul3A_15 = arith.constant 625 : i32
    %mul3A_16 = arith.muli %arg1, %mul3A_15 : i32
    "tpu.region"() ({
      %run_scoped3A = tpu.sem_alloc : memref<!tpu.dma_semaphore, #tpu.memory_space<semaphore_mem>>
      %dma_start3A = arith.constant 0 : i32
      %dma_start3A_17 = tpu.memref_slice %arg5[%arg0, %mul3A_16, %dma_start3A] : memref<2x10000x16xf32, #tpu.memory_space<hbm>> -> memref<1x625x16xf32, #tpu.memory_space<hbm>>
      %dma_start3A_18 = tpu.memref_squeeze %dma_start3A_17 : memref<1x625x16xf32, #tpu.memory_space<hbm>> -> memref<625x16xf32, #tpu.memory_space<hbm>>
      %dma_start3A_19 = arith.constant 0 : i32
      %dma_start3A_20 = tpu.memref_slice %arg8[%mul3A_14, %dma_start3A_19] : memref<10000x16xf32, #tpu.memory_space<vmem_shared>> -> memref<625x16xf32, #tpu.memory_space<vmem_shared>>
      tpu.enqueue_dma source(%dma_start3A_20 : memref<625x16xf32, #tpu.memory_space<vmem_shared>>) target(%dma_start3A_18 : memref<625x16xf32, #tpu.memory_space<hbm>>) target_semaphore(%run_scoped3A : memref<!tpu.dma_semaphore, #tpu.memory_space<semaphore_mem>>)
      %dma_wait3A = arith.constant 0 : i32
      %dma_wait3A_21 = tpu.memref_slice %arg5[%arg0, %mul3A_16, %dma_wait3A] : memref<2x10000x16xf32, #tpu.memory_space<hbm>> -> memref<1x625x16xf32, #tpu.memory_space<hbm>>
      %dma_wait3A_22 = tpu.memref_squeeze %dma_wait3A_21 : memref<1x625x16xf32, #tpu.memory_space<hbm>> -> memref<625x16xf32, #tpu.memory_space<hbm>>
      %dma_wait3A_23 = arith.constant 0 : i32
      %dma_wait3A_24 = tpu.memref_slice %arg8[%mul3A_14, %dma_wait3A_23] : memref<10000x16xf32, #tpu.memory_space<vmem_shared>> -> memref<625x16xf32, #tpu.memory_space<vmem_shared>>
      tpu.wait_dma2 semaphore(%run_scoped3A : memref<!tpu.dma_semaphore, #tpu.memory_space<semaphore_mem>>) src(%dma_wait3A_24 : memref<625x16xf32, #tpu.memory_space<vmem_shared>>) dst(%dma_wait3A_22 : memref<625x16xf32, #tpu.memory_space<hbm>>)
      tpu.yield
    }) : () -> ()
    return
  }
}

#map = affine_map<(d0, d1) -> (0, 0)>
#map1 = affine_map<(d0, d1) -> (0)>
module attributes {stable_mosaic.version = 14 : i64} {
  func.func @_gather(%arg0: i32, %arg1: i32, %arg2: memref<10000x16xf32, #tpu.memory_space<hbm>>, %arg3: memref<160000xi32, #tpu.memory_space<hbm>>, %arg4: memref<160000xi32, #tpu.memory_space<hbm>>, %arg5: memref<160000x16xf32, #tpu.memory_space<hbm>>, %arg6: memref<160000x16xf32, #tpu.memory_space<hbm>>, %arg7: memref<5000xi32, #tpu.memory_space<vmem>>, %arg8: memref<5000x16xf32, #tpu.memory_space<vmem>>, %arg9: memref<!tpu.dma_semaphore, #tpu.memory_space<semaphore_mem>>) attributes {dimension_semantics = [#tpu.dimension_semantics<core_parallel>, #tpu.dimension_semantics<subcore_parallel>], iteration_bounds = array<i64: 2, 16>, scalar_prefetch = 0 : i64, scratch_operands = 3 : i64, tpu.core_type = #tpu.core_type<sc_vector_subcore>, window_params = [{transform_indices = #map}, {transform_indices = #map1}, {transform_indices = #map1}, {transform_indices = #map}, {transform_indices = #map}]} {
    %mul3A = arith.constant 2 : i32
    %mul3A_0 = arith.muli %arg1, %mul3A : i32
    %add3A = arith.addi %mul3A_0, %arg0 : i32
    %mul3A_1 = arith.constant 5000 : i32
    %mul3A_2 = arith.muli %add3A, %mul3A_1 : i32
    "tpu.region"() ({
      %run_scoped3A = tpu.sem_alloc : memref<!tpu.dma_semaphore, #tpu.memory_space<semaphore_mem>>
      %dma_start3A_13 = tpu.memref_slice %arg3[%mul3A_2] : memref<160000xi32, #tpu.memory_space<hbm>> -> memref<5000xi32, #tpu.memory_space<hbm>>
      %dma_start3A_14 = tpu.memref_slice %arg3[%mul3A_2] : memref<160000xi32, #tpu.memory_space<hbm>> -> memref<5000xi32, #tpu.memory_space<hbm>>
      tpu.enqueue_dma source(%dma_start3A_14 : memref<5000xi32, #tpu.memory_space<hbm>>) target(%arg7 : memref<5000xi32, #tpu.memory_space<vmem>>) target_semaphore(%run_scoped3A : memref<!tpu.dma_semaphore, #tpu.memory_space<semaphore_mem>>)
      %dma_wait3A_15 = tpu.memref_slice %arg3[%mul3A_2] : memref<160000xi32, #tpu.memory_space<hbm>> -> memref<5000xi32, #tpu.memory_space<hbm>>
      %dma_wait3A_16 = tpu.memref_slice %arg3[%mul3A_2] : memref<160000xi32, #tpu.memory_space<hbm>> -> memref<5000xi32, #tpu.memory_space<hbm>>
      tpu.wait_dma2 semaphore(%run_scoped3A : memref<!tpu.dma_semaphore, #tpu.memory_space<semaphore_mem>>) src(%dma_wait3A_16 : memref<5000xi32, #tpu.memory_space<hbm>>) dst(%arg7 : memref<5000xi32, #tpu.memory_space<vmem>>)
      tpu.yield
    }) : () -> ()
    %dma_start3A = arith.constant 0 : i32
    %dma_start3A_3 = arith.constant 0 : i32
    %dma_start3A_4 = tpu.memref_slice %arg2[%dma_start3A, %dma_start3A_3] : memref<10000x16xf32, #tpu.memory_space<hbm>> -> memref<10000x16xf32, #tpu.memory_space<hbm>>
    tpu.enqueue_indirect_dma source(%dma_start3A_4 : memref<10000x16xf32, #tpu.memory_space<hbm>>) target(%arg8 : memref<5000x16xf32, #tpu.memory_space<vmem>>) offsets(%arg7 : memref<5000xi32, #tpu.memory_space<vmem>>) semaphore(%arg9 : memref<!tpu.dma_semaphore, #tpu.memory_space<semaphore_mem>>)
    %dma_wait3A = arith.constant 0 : i32
    %dma_wait3A_5 = arith.constant 0 : i32
    %dma_wait3A_6 = tpu.memref_slice %arg2[%dma_wait3A, %dma_wait3A_5] : memref<10000x16xf32, #tpu.memory_space<hbm>> -> memref<10000x16xf32, #tpu.memory_space<hbm>>
    tpu.wait_indirect_dma semaphore(%arg9 : memref<!tpu.dma_semaphore, #tpu.memory_space<semaphore_mem>>) src(%dma_wait3A_6 : memref<10000x16xf32, #tpu.memory_space<hbm>>) dst(%arg8 : memref<5000x16xf32, #tpu.memory_space<vmem>>)
    "tpu.region"() ({
      %run_scoped3A = tpu.sem_alloc : memref<!tpu.dma_semaphore, #tpu.memory_space<semaphore_mem>>
      %dma_start3A_13 = arith.constant 0 : i32
      %dma_start3A_14 = tpu.memref_slice %arg5[%mul3A_2, %dma_start3A_13] : memref<160000x16xf32, #tpu.memory_space<hbm>> -> memref<5000x16xf32, #tpu.memory_space<hbm>>
      %dma_start3A_15 = arith.constant 0 : i32
      %dma_start3A_16 = tpu.memref_slice %arg5[%mul3A_2, %dma_start3A_15] : memref<160000x16xf32, #tpu.memory_space<hbm>> -> memref<5000x16xf32, #tpu.memory_space<hbm>>
      tpu.enqueue_dma source(%arg8 : memref<5000x16xf32, #tpu.memory_space<vmem>>) target(%dma_start3A_16 : memref<5000x16xf32, #tpu.memory_space<hbm>>) target_semaphore(%run_scoped3A : memref<!tpu.dma_semaphore, #tpu.memory_space<semaphore_mem>>)
      %dma_wait3A_17 = arith.constant 0 : i32
      %dma_wait3A_18 = tpu.memref_slice %arg5[%mul3A_2, %dma_wait3A_17] : memref<160000x16xf32, #tpu.memory_space<hbm>> -> memref<5000x16xf32, #tpu.memory_space<hbm>>
      %dma_wait3A_19 = arith.constant 0 : i32
      %dma_wait3A_20 = tpu.memref_slice %arg5[%mul3A_2, %dma_wait3A_19] : memref<160000x16xf32, #tpu.memory_space<hbm>> -> memref<5000x16xf32, #tpu.memory_space<hbm>>
      tpu.wait_dma2 semaphore(%run_scoped3A : memref<!tpu.dma_semaphore, #tpu.memory_space<semaphore_mem>>) src(%arg8 : memref<5000x16xf32, #tpu.memory_space<vmem>>) dst(%dma_wait3A_20 : memref<5000x16xf32, #tpu.memory_space<hbm>>)
      tpu.yield
    }) : () -> ()
    "tpu.region"() ({
      %run_scoped3A = tpu.sem_alloc : memref<!tpu.dma_semaphore, #tpu.memory_space<semaphore_mem>>
      %dma_start3A_13 = tpu.memref_slice %arg4[%mul3A_2] : memref<160000xi32, #tpu.memory_space<hbm>> -> memref<5000xi32, #tpu.memory_space<hbm>>
      %dma_start3A_14 = tpu.memref_slice %arg4[%mul3A_2] : memref<160000xi32, #tpu.memory_space<hbm>> -> memref<5000xi32, #tpu.memory_space<hbm>>
      tpu.enqueue_dma source(%dma_start3A_14 : memref<5000xi32, #tpu.memory_space<hbm>>) target(%arg7 : memref<5000xi32, #tpu.memory_space<vmem>>) target_semaphore(%run_scoped3A : memref<!tpu.dma_semaphore, #tpu.memory_space<semaphore_mem>>)
      %dma_wait3A_15 = tpu.memref_slice %arg4[%mul3A_2] : memref<160000xi32, #tpu.memory_space<hbm>> -> memref<5000xi32, #tpu.memory_space<hbm>>
      %dma_wait3A_16 = tpu.memref_slice %arg4[%mul3A_2] : memref<160000xi32, #tpu.memory_space<hbm>> -> memref<5000xi32, #tpu.memory_space<hbm>>
      tpu.wait_dma2 semaphore(%run_scoped3A : memref<!tpu.dma_semaphore, #tpu.memory_space<semaphore_mem>>) src(%dma_wait3A_16 : memref<5000xi32, #tpu.memory_space<hbm>>) dst(%arg7 : memref<5000xi32, #tpu.memory_space<vmem>>)
      tpu.yield
    }) : () -> ()
    %dma_start3A_7 = arith.constant 0 : i32
    %dma_start3A_8 = arith.constant 0 : i32
    %dma_start3A_9 = tpu.memref_slice %arg2[%dma_start3A_7, %dma_start3A_8] : memref<10000x16xf32, #tpu.memory_space<hbm>> -> memref<10000x16xf32, #tpu.memory_space<hbm>>
    tpu.enqueue_indirect_dma source(%dma_start3A_9 : memref<10000x16xf32, #tpu.memory_space<hbm>>) target(%arg8 : memref<5000x16xf32, #tpu.memory_space<vmem>>) offsets(%arg7 : memref<5000xi32, #tpu.memory_space<vmem>>) semaphore(%arg9 : memref<!tpu.dma_semaphore, #tpu.memory_space<semaphore_mem>>)
    %dma_wait3A_10 = arith.constant 0 : i32
    %dma_wait3A_11 = arith.constant 0 : i32
    %dma_wait3A_12 = tpu.memref_slice %arg2[%dma_wait3A_10, %dma_wait3A_11] : memref<10000x16xf32, #tpu.memory_space<hbm>> -> memref<10000x16xf32, #tpu.memory_space<hbm>>
    tpu.wait_indirect_dma semaphore(%arg9 : memref<!tpu.dma_semaphore, #tpu.memory_space<semaphore_mem>>) src(%dma_wait3A_12 : memref<10000x16xf32, #tpu.memory_space<hbm>>) dst(%arg8 : memref<5000x16xf32, #tpu.memory_space<vmem>>)
    "tpu.region"() ({
      %run_scoped3A = tpu.sem_alloc : memref<!tpu.dma_semaphore, #tpu.memory_space<semaphore_mem>>
      %dma_start3A_13 = arith.constant 0 : i32
      %dma_start3A_14 = tpu.memref_slice %arg6[%mul3A_2, %dma_start3A_13] : memref<160000x16xf32, #tpu.memory_space<hbm>> -> memref<5000x16xf32, #tpu.memory_space<hbm>>
      %dma_start3A_15 = arith.constant 0 : i32
      %dma_start3A_16 = tpu.memref_slice %arg6[%mul3A_2, %dma_start3A_15] : memref<160000x16xf32, #tpu.memory_space<hbm>> -> memref<5000x16xf32, #tpu.memory_space<hbm>>
      tpu.enqueue_dma source(%arg8 : memref<5000x16xf32, #tpu.memory_space<vmem>>) target(%dma_start3A_16 : memref<5000x16xf32, #tpu.memory_space<hbm>>) target_semaphore(%run_scoped3A : memref<!tpu.dma_semaphore, #tpu.memory_space<semaphore_mem>>)
      %dma_wait3A_17 = arith.constant 0 : i32
      %dma_wait3A_18 = tpu.memref_slice %arg6[%mul3A_2, %dma_wait3A_17] : memref<160000x16xf32, #tpu.memory_space<hbm>> -> memref<5000x16xf32, #tpu.memory_space<hbm>>
      %dma_wait3A_19 = arith.constant 0 : i32
      %dma_wait3A_20 = tpu.memref_slice %arg6[%mul3A_2, %dma_wait3A_19] : memref<160000x16xf32, #tpu.memory_space<hbm>> -> memref<5000x16xf32, #tpu.memory_space<hbm>>
      tpu.wait_dma2 semaphore(%run_scoped3A : memref<!tpu.dma_semaphore, #tpu.memory_space<semaphore_mem>>) src(%arg8 : memref<5000x16xf32, #tpu.memory_space<vmem>>) dst(%dma_wait3A_20 : memref<5000x16xf32, #tpu.memory_space<hbm>>)
      tpu.yield
    }) : () -> ()
    return
  }
}

module attributes {stable_mosaic.version = 14 : i64} {
  func.func @_dense_body(%arg0: i32, %arg1: memref<1000x128xf32, #tpu.memory_space<vmem>>, %arg2: memref<1000x128xf32, #tpu.memory_space<vmem>>, %arg3: memref<1000x80xf32, #tpu.memory_space<vmem>>, %arg4: memref<1000x128xf32, #tpu.memory_space<vmem>>, %arg5: memref<80x2048xf32, #tpu.memory_space<vmem>>, %arg6: memref<128x2048xf32, #tpu.memory_space<vmem>>, %arg7: memref<128x2048xf32, #tpu.memory_space<vmem>>, %arg8: memref<2048x128xf32, #tpu.memory_space<vmem>>, %arg9: memref<1000x128xf32, #tpu.memory_space<vmem>>) attributes {dimension_semantics = [#tpu.dimension_semantics<arbitrary>], iteration_bounds = array<i64: 20>, scalar_prefetch = 0 : i64, scratch_operands = 0 : i64, tpu.core_type = #tpu.core_type<tc>, window_params = [{transform_indices = @transform_0, window_bounds = array<i64: 1000, 128>}, {transform_indices = @transform_1, window_bounds = array<i64: 1000, 128>}, {transform_indices = @transform_2, window_bounds = array<i64: 1000, 80>}, {transform_indices = @transform_3, window_bounds = array<i64: 1000, 128>}, {pipeline_mode = #tpu.pipeline_mode<synchronous>, transform_indices = @transform_4, window_bounds = array<i64: 80, 2048>}, {pipeline_mode = #tpu.pipeline_mode<synchronous>, transform_indices = @transform_5, window_bounds = array<i64: 128, 2048>}, {pipeline_mode = #tpu.pipeline_mode<synchronous>, transform_indices = @transform_6, window_bounds = array<i64: 128, 2048>}, {pipeline_mode = #tpu.pipeline_mode<synchronous>, transform_indices = @transform_7, window_bounds = array<i64: 2048, 128>}, {transform_indices = @transform_8, window_bounds = array<i64: 1000, 128>}]} {
    %get3A = arith.constant 0 : index
    %get3A_0 = arith.constant 0 : index
    %get3A_1 = vector.load %arg3[%get3A, %get3A_0] : memref<1000x80xf32, #tpu.memory_space<vmem>>, vector<1000x80xf32>
    %get3A_2 = arith.constant 0 : index
    %get3A_3 = arith.constant 0 : index
    %get3A_4 = vector.load %arg5[%get3A_2, %get3A_3] : memref<80x2048xf32, #tpu.memory_space<vmem>>, vector<80x2048xf32>
    %dot_general3A = arith.constant dense<0.000000e+00> : vector<1000x2048xf32>
    %dot_general3A_5 = tpu.matmul %get3A_1, %get3A_4, %dot_general3A {dimension_numbers = #tpu.dot_dimension_numbers<[1], [0], [0], [1], [0, 0, 1, 1], [], []>, transpose_lhs_hint = false} : vector<1000x80xf32>, vector<80x2048xf32>, vector<1000x2048xf32> -> vector<1000x2048xf32>
    %max3A = arith.constant 0.000000e+00 : f32
    %max3A_6 = vector.broadcast %max3A : f32 to vector<1000x2048xf32>
    %max3A_7 = arith.maximumf %dot_general3A_5, %max3A_6 : vector<1000x2048xf32>
    %mul3A = arith.constant 1.41421354 : f32
    %mul3A_8 = vector.broadcast %mul3A : f32 to vector<1000x2048xf32>
    %mul3A_9 = arith.mulf %mul3A_8, %max3A_7 : vector<1000x2048xf32>
    %get3A_10 = arith.constant 0 : index
    %get3A_11 = arith.constant 0 : index
    %get3A_12 = vector.load %arg1[%get3A_10, %get3A_11] : memref<1000x128xf32, #tpu.memory_space<vmem>>, vector<1000x128xf32>
    %get3A_13 = arith.constant 0 : index
    %get3A_14 = arith.constant 0 : index
    %get3A_15 = vector.load %arg6[%get3A_13, %get3A_14] : memref<128x2048xf32, #tpu.memory_space<vmem>>, vector<128x2048xf32>
    %dot_general3A_16 = arith.constant dense<0.000000e+00> : vector<1000x2048xf32>
    %dot_general3A_17 = tpu.matmul %get3A_12, %get3A_15, %dot_general3A_16 {dimension_numbers = #tpu.dot_dimension_numbers<[1], [0], [0], [1], [0, 0, 1, 1], [], []>, transpose_lhs_hint = false} : vector<1000x128xf32>, vector<128x2048xf32>, vector<1000x2048xf32> -> vector<1000x2048xf32>
    %get3A_18 = arith.constant 0 : index
    %get3A_19 = arith.constant 0 : index
    %get3A_20 = vector.load %arg2[%get3A_18, %get3A_19] : memref<1000x128xf32, #tpu.memory_space<vmem>>, vector<1000x128xf32>
    %get3A_21 = arith.constant 0 : index
    %get3A_22 = arith.constant 0 : index
    %get3A_23 = vector.load %arg7[%get3A_21, %get3A_22] : memref<128x2048xf32, #tpu.memory_space<vmem>>, vector<128x2048xf32>
    %dot_general3A_24 = arith.constant dense<0.000000e+00> : vector<1000x2048xf32>
    %dot_general3A_25 = tpu.matmul %get3A_20, %get3A_23, %dot_general3A_24 {dimension_numbers = #tpu.dot_dimension_numbers<[1], [0], [0], [1], [0, 0, 1, 1], [], []>, transpose_lhs_hint = false} : vector<1000x128xf32>, vector<128x2048xf32>, vector<1000x2048xf32> -> vector<1000x2048xf32>
    %add3A = arith.addf %dot_general3A_17, %dot_general3A_25 : vector<1000x2048xf32>
    %mul3A_26 = arith.mulf %mul3A_9, %add3A : vector<1000x2048xf32>
    %get3A_27 = arith.constant 0 : index
    %get3A_28 = arith.constant 0 : index
    %get3A_29 = vector.load %arg8[%get3A_27, %get3A_28] : memref<2048x128xf32, #tpu.memory_space<vmem>>, vector<2048x128xf32>
    %dot_general3A_30 = arith.constant dense<0.000000e+00> : vector<1000x128xf32>
    %dot_general3A_31 = tpu.matmul %mul3A_26, %get3A_29, %dot_general3A_30 {dimension_numbers = #tpu.dot_dimension_numbers<[1], [0], [0], [1], [0, 0, 1, 1], [], []>, transpose_lhs_hint = false} : vector<1000x2048xf32>, vector<2048x128xf32>, vector<1000x128xf32> -> vector<1000x128xf32>
    %tanh3A = math.tanh %dot_general3A_31 : vector<1000x128xf32>
    %mul3A_32 = arith.constant 1.59271157 : f32
    %mul3A_33 = vector.broadcast %mul3A_32 : f32 to vector<1000x128xf32>
    %mul3A_34 = arith.mulf %mul3A_33, %tanh3A : vector<1000x128xf32>
    %get3A_35 = arith.constant 0 : index
    %get3A_36 = arith.constant 0 : index
    %get3A_37 = vector.load %arg4[%get3A_35, %get3A_36] : memref<1000x128xf32, #tpu.memory_space<vmem>>, vector<1000x128xf32>
    %mul3A_38 = arith.mulf %mul3A_34, %get3A_37 : vector<1000x128xf32>
    %swap3A = arith.constant 0 : index
    %swap3A_39 = arith.constant 0 : index
    %swap3A_40 = vector.load %arg9[%swap3A, %swap3A_39] : memref<1000x128xf32, #tpu.memory_space<vmem>>, vector<1000x128xf32>
    tpu.vector_store %arg9[%swap3A, %swap3A_39], %mul3A_38 {strides = array<i32>} : memref<1000x128xf32, #tpu.memory_space<vmem>>, vector<1000x128xf32>,
    return
  }
  func.func @transform_0(%arg0: i32) -> (i32, i32) {
    %c0_i32 = arith.constant 0 : i32
    %c0_i32_0 = arith.constant 0 : i32
    return %arg0, %c0_i32 : i32, i32
  }
  func.func @transform_1(%arg0: i32) -> (i32, i32) {
    %c0_i32 = arith.constant 0 : i32
    %c0_i32_0 = arith.constant 0 : i32
    return %arg0, %c0_i32 : i32, i32
  }
  func.func @transform_2(%arg0: i32) -> (i32, i32) {
    %c0_i32 = arith.constant 0 : i32
    %c0_i32_0 = arith.constant 0 : i32
    return %arg0, %c0_i32 : i32, i32
  }
  func.func @transform_3(%arg0: i32) -> (i32, i32) {
    %c0_i32 = arith.constant 0 : i32
    %c0_i32_0 = arith.constant 0 : i32
    return %arg0, %c0_i32 : i32, i32
  }
  func.func @transform_4(%arg0: i32) -> (i32, i32) {
    %c0_i32 = arith.constant 0 : i32
    %c0_i32_0 = arith.constant 0 : i32
    %c0_i32_1 = arith.constant 0 : i32
    return %c0_i32, %c0_i32_0 : i32, i32
  }
  func.func @transform_5(%arg0: i32) -> (i32, i32) {
    %c0_i32 = arith.constant 0 : i32
    %c0_i32_0 = arith.constant 0 : i32
    %c0_i32_1 = arith.constant 0 : i32
    return %c0_i32, %c0_i32_0 : i32, i32
  }
  func.func @transform_6(%arg0: i32) -> (i32, i32) {
    %c0_i32 = arith.constant 0 : i32
    %c0_i32_0 = arith.constant 0 : i32
    %c0_i32_1 = arith.constant 0 : i32
    return %c0_i32, %c0_i32_0 : i32, i32
  }
  func.func @transform_7(%arg0: i32) -> (i32, i32) {
    %c0_i32 = arith.constant 0 : i32
    %c0_i32_0 = arith.constant 0 : i32
    %c0_i32_1 = arith.constant 0 : i32
    return %c0_i32, %c0_i32_0 : i32, i32
  }
  func.func @transform_8(%arg0: i32) -> (i32, i32) {
    %c0_i32 = arith.constant 0 : i32
    %c0_i32_0 = arith.constant 0 : i32
    return %arg0, %c0_i32 : i32, i32
  }
}

module attributes {stable_mosaic.version = 14 : i64} {
  func.func @_combine_body(%arg0: memref<2x10000x16xf32, #tpu.memory_space<vmem>>, %arg1: memref<10000x16xf32, #tpu.memory_space<vmem>>) attributes {dimension_semantics = [], scalar_prefetch = 0 : i64, scratch_operands = 0 : i64, tpu.core_type = #tpu.core_type<tc>} {
    %get3A = arith.constant 0 : index
    %get3A_0 = arith.constant 0 : index
    %get3A_1 = arith.constant 0 : index
    %get3A_2 = vector.load %arg0[%get3A, %get3A_0, %get3A_1] : memref<2x10000x16xf32, #tpu.memory_space<vmem>>, vector<1x10000x16xf32>
    %get3A_3 = vector.shape_cast %get3A_2 : vector<1x10000x16xf32> to vector<10000x16xf32>
    %get3A_4 = arith.constant 1 : index
    %get3A_5 = arith.constant 0 : index
    %get3A_6 = arith.constant 0 : index
    %get3A_7 = vector.load %arg0[%get3A_4, %get3A_5, %get3A_6] : memref<2x10000x16xf32, #tpu.memory_space<vmem>>, vector<1x10000x16xf32>
    %get3A_8 = vector.shape_cast %get3A_7 : vector<1x10000x16xf32> to vector<10000x16xf32>
    %add3A = arith.addf %get3A_3, %get3A_8 : vector<10000x16xf32>
    %swap3A = arith.constant 0 : index
    %swap3A_9 = arith.constant 0 : index
    %swap3A_10 = vector.load %arg1[%swap3A, %swap3A_9] : memref<10000x16xf32, #tpu.memory_space<vmem>>, vector<10000x16xf32>
    tpu.vector_store %arg1[%swap3A, %swap3A_9], %add3A {strides = array<i32>} : memref<10000x16xf32, #tpu.memory_space<vmem>>, vector<10000x16xf32>,
    return
  }
}

</mosaic_0001>

<sc_bundles>
// kernel: kernel.6.cloned.1.call-start
scs
__scs_entry_jumppad:
0x0: {  	(pc) =	sbr.rel $0x88, $3  }
0x1: {  	(tag) =	ssettag $0x0;
	lr =	simm.s32 $0x1  }
0x2: {  	[smem:$0x3F9B] =	sst lr;
	_ =	strace $0xD0000000  }
0x3: {  	_ = 	snop  }
0x4: {  	_ = 	snop  }
0x5: {  	_ = 	snop  }
0x6: {  	_ = 	snop  }
0x7: {  	_ = 	snop  }
__scs_overlays_trampoline_lowered:
0x8: {  	[smem:$0x3FAA] =	sst s0  }
0x9: {  	[smem:$0x3FAB] =	sst s1  }
0xa: {  	[smem:$0x3FAC] =	sst s2  }
0xb: {  	[smem:$0x3FAD] =	sst s3  }
0xc: {  	[smem:$0x3FAE] =	sst s4  }
0xd: {  	[smem:$0x3FAF] =	sst s5  }
0xe: {  	[smem:$0x3FB0] =	sst s6  }
0xf: {  	[smem:$0x3FB1] =	sst s7  }
0x10: {  	[smem:$0x3FB2] =	sst s8  }
0x11: {  	[smem:$0x3FB3] =	sst s9;
	s0 =	simm.s32 @!p0 $0x0  }
0x12: {  	s1 =	sld [smem:$0x3F99];
	s0 =	simm.s32 @p0 $0x1  }
0x13: {  	[smem:$0x3FB4] =	sst s0;
	s0 =	simm.s32 @!p1 $0x0  }
0x14: {  	s2 =	sld [smem:$0x3F98];
	s0 =	simm.s32 @p1 $0x1  }
0x15: {  	[smem:$0x3FB5] =	sst s0;
	s0 =	simm.s32 @!p2 $0x0  }
0x16: {  	s3 =	sld [smem:$0x3FDB];
	s0 =	simm.s32 @p2 $0x1  }
0x17: {  	s4 =	simm.s32 $0x1BF5;
	[smem:$0x3FB7] =	sst s0  }
0x18: {  	s0 =	sld [smem:$0x3F9A];
	_ =	swait.ge [sflag:s4], $0x0  }
0x19: {  	s7 =	sld [smem:$0x3F9B]  }
0x1a: {  	s8 =	sadd.s32 $0xFFFFE003, lr  }
0x1b: {  	s9 =	sadd.s32 $0xFFFFFEF7, lr;
	s5 =	simm.s32 $0xFFFFFFFF;
	p2 =	slt.u32 s8, $0xFFFFF086  }
0x1c: {  	p1 =	slt.u32 s9, $0xF7A;
	s5 =	simm.s32 @!p2 $0x0  }
0x1d: {  	s5 =	simm.s32 @p1 $0x1;
	p0 =	seq.s32 s7, s2  }
0x1e: {  	s7 =	smul.u32 @!p0 $0xF7A, s2;
	p2 =	seq.s32 @!p0 s5, $0x0  }
0x1f: {  	s9 =	smul.u32 $0xF7A, s1;
	s8 =	simm.s32 @!p0 $0x1BF5;
	p2 =	por !p2, p0  }
0x20: {  	[sflag:s8] =	ssyncset.s32 @!p0 $0xFFFFF086;
	s6 =	sadd.s32 @!p0 s3, s7;
	s7 =	simm.s32 @!p0 $0x108  }
0x21: {  	s3 =	sadd.s32 s3, s9;
	s6 =	sadd.s32 @!p0 $0x88, s6;
	s7 =	simm.s32 @p2 $0x1082  }
0x22: {  	[simem:s7], [sflag:s8] =	dma.local @!p0 [hbm:s6], $0xF7A  }
0x23: {  	s9 =	sor.u32 $0xD0000000, s2;
	s6 =	simm.s32 $0x108;
	_ =	swait.ge @!p0 [sflag:s8], $0x0  }
0x24: {  	s3 =	sadd.s32 $0x88, s3;
	s6 =	simm.s32 @!p1 $0x1082;
	[sflag:s4] =	ssyncset.s32 $0xFFFFF086  }
0x25: {  	[simem:s6], [sflag:s4] =	dma.local [hbm:s3], $0xF7A  }
0x26: {  	[smem:$0x3F9B] =	sst s1;
	(tag) =	ssettag s2;
	_ =	strace s9  }
0x27: {  	s1 =	sld [smem:$0x3FAB]  }
0x28: {  	s2 =	sld [smem:$0x3FAC]  }
0x29: {  	s4 =	sld [smem:$0x3FAE]  }
0x2a: {  	p0 =	seq.s32 s5, $0x0;
	s5 =	sld [smem:$0x3FAF]  }
0x2b: {  	s6 =	sld [smem:$0x3FB0]  }
0x2c: {  	s7 =	sld [smem:$0x3FB1]  }
0x2d: {  	s3 =	simm.s32 $0x108;
	s8 =	sld [smem:$0x3FB2]  }
0x2e: {  	s3 =	simm.s32 @!p0 $0x1082;
	s9 =	sld [smem:$0x3FB3]  }
0x2f: {  	lr =	sadd.s32 s0, s3;
	s0 =	sld [smem:$0x3FAA]  }
0x30: {  	s3 =	sld [smem:$0x3FAD]  }
0x31: {  	[smem:$0x3FB6] =	sst s10  }
0x32: {  	s10 =	sld [smem:$0x3FB4];
	_ =	sdelay $0x3  }
0x33: {  	p0 =	seq.s32 s10, $0x1;
	s10 =	sld [smem:$0x3FB6];
	_ =	sdelay $0x3  }
0x34: {  	[smem:$0x3FB6] =	sst s10  }
0x35: {  	s10 =	sld [smem:$0x3FB5];
	_ =	sdelay $0x3  }
0x36: {  	p1 =	seq.s32 s10, $0x1;
	s10 =	sld [smem:$0x3FB6];
	_ =	sdelay $0x3  }
0x37: {  	[smem:$0x3FB6] =	sst s10  }
0x38: {  	s10 =	sld [smem:$0x3FB7]  }
0x39: {  	_ = 	snop;
	(pc) =	sbr.ind lr, $3  }
0x3a: {  	_ = 	snop  }
0x3b: {  	_ = 	snop  }
0x3c: {  	p2 =	seq.s32 s10, $0x1;
	s10 =	sld [smem:$0x3FB6]  }
0x3d: {  	_ =	shalt  }
0x3e: {  	_ =	shalt  }
0x3f: {  	_ =	shalt  }
0x40: {  	_ =	shalt  }
0x41: {  	_ =	shalt  }
0x42: {  	_ =	shalt  }
0x43: {  	_ =	shalt  }
0x44: {  	_ =	shalt  }
0x45: {  	_ =	shalt  }
0x46: {  	_ =	shalt  }
0x47: {  	_ =	shalt  }
0x48: {  	_ =	shalt  }
0x49: {  	_ =	shalt  }
0x4a: {  	_ =	shalt  }
0x4b: {  	_ =	shalt  }
0x4c: {  	_ =	shalt  }
0x4d: {  	_ =	shalt  }
0x4e: {  	_ =	shalt  }
0x4f: {  	_ =	shalt  }
0x50: {  	_ =	shalt  }
0x51: {  	_ =	shalt  }
0x52: {  	_ =	shalt  }
0x53: {  	_ =	shalt  }
0x54: {  	_ =	shalt  }
0x55: {  	_ =	shalt  }
0x56: {  	_ =	shalt  }
0x57: {  	_ =	shalt  }
0x58: {  	_ =	shalt  }
0x59: {  	_ =	shalt  }
0x5a: {  	_ =	shalt  }
0x5b: {  	_ =	shalt  }
0x5c: {  	_ =	shalt  }
0x5d: {  	_ =	shalt  }
0x5e: {  	_ =	shalt  }
0x5f: {  	_ =	shalt  }
0x60: {  	_ =	shalt  }
0x61: {  	_ =	shalt  }
0x62: {  	_ =	shalt  }
0x63: {  	_ =	shalt  }
0x64: {  	_ =	shalt  }
0x65: {  	_ =	shalt  }
0x66: {  	_ =	shalt  }
0x67: {  	_ =	shalt  }
0x68: {  	_ =	shalt  }
0x69: {  	_ =	shalt  }
0x6a: {  	_ =	shalt  }
0x6b: {  	_ =	shalt  }
0x6c: {  	_ =	shalt  }
0x6d: {  	_ =	shalt  }
0x6e: {  	_ =	shalt  }
0x6f: {  	_ =	shalt  }
0x70: {  	_ =	shalt  }
0x71: {  	_ =	shalt  }
0x72: {  	_ =	shalt  }
0x73: {  	_ =	shalt  }
0x74: {  	_ =	shalt  }
0x75: {  	_ =	shalt  }
0x76: {  	_ =	shalt  }
0x77: {  	_ =	shalt  }
0x78: {  	_ =	shalt  }
0x79: {  	_ =	shalt  }
0x7a: {  	_ =	shalt  }
0x7b: {  	_ =	shalt  }
0x7c: {  	_ =	shalt  }
0x7d: {  	_ =	shalt  }
0x7e: {  	_ =	shalt  }
0x7f: {  	_ =	shalt  }
0x80: {  	_ =	shalt  }
0x81: {  	_ =	shalt  }
0x82: {  	_ =	shalt  }
0x83: {  	_ =	shalt  }
0x84: {  	_ =	shalt  }
0x85: {  	_ =	shalt  }
0x86: {  	_ =	shalt  }
0x87: {  	_ =	shalt  }
.Lfunc_end0:
.L_simem_size_0:
called_computation_lowered:
.L_overlay_start_0:
0x88: {  	s2 =	sld [smem:$0x3FD9]  }
0x89: {  	s3 =	sld [smem:$0x3FFE];
	_ =	sdelay $0x1  }
0x8a: {  	s1 =	srdreg.scid  }
0x8b: {  	s0 =	sand.u32 $0x1, s1  }
0x8c: {  	s17 =	sshll.u32 s0, $0xA;
	s2 =	sadd.s32 s3, s2  }
0x8d: {  	s2 =	sadd.s32 s2, s17  }
0x8e: {  	[smem:$0x3FC2] =	sst s2  }
0x8f: {  	_ = 	snop  }
0x90: {  	s2 =	sld [smem:$0x3FD0];
	(tm) =	ssettm $0x1  }
0x91: {  	s18 =	sld [smem:$0x3FFB];
	_ =	sdelay $0x3  }
0x92: {  	_ =	strace s18  }
0x93: {  	s3 =	sld [smem:$0x3FFC];
	_ =	sdelay $0x3  }
0x94: {  	_ =	strace s3  }
0x95: {  	s3 =	sld [smem:$0x3FFD];
	_ =	sdelay $0x3  }
0x96: {  	_ =	strace s3  }
0x97: {  	_ =	strace $0x8FFFFFFF  }
0x98: {  	s19 =	sld [smem:$0x3FDB];
	_ =	sdelay $0x1  }
0x99: {  	s4 =	simm.s32 $_scs_section_size  }
0x9a: {  	s5 =	simm.s32 $_size__tile_overlayer_lowered;
	s6 =	simm.s32 $_tile_overlayer_lowered  }
0x9b: {  	s22 =	simm.s32 $0x1BFF;
	s21 =	sshll.u32 s6, $0x1;
	s3 =	sadd.s32 s4, s19  }
0x9c: {  	s7 =	simm.s32 $0x0;
	s20 =	sshll.u32 s5, $0x1;
	s5 =	sadd.s32 s21, s3  }
0x9d: {  	[timem:s7], [sflag:s22] =	dma.local [hbm:s5], s20  }
0x9e: {  	_ =	swait.ge [sflag:s22], s20  }
0x9f: {  	s4 =	ssub.s32 $0x0, s20;
	[sflag:s22] =	ssyncset.done $0x0  }
0xa0: {  	[sflag:s22] =	ssyncadd.s32 s4;
	_ =	sdelay $0x1  }
0xa1: {  	s23 =	simm.s32 $0x1B8B  }
0xa2: {  	_ =	swait.ge [sflag:s23], $0x1  }
0xa3: {  	[sflag:s23] =	ssyncset.done $0x0  }
0xa4: {  	s25 =	simm.s32 $0x1B8E;
	s24 =	sld [smem:$0x3FFE];
	[sflag:s23] =	ssyncadd.s32 $0xFFFFFFFF  }
0xa5: {  	s26 =	simm.s32 $execute0_lowered;
	[smem:$0x3FD2] =	sst s25  }
0xa6: {  	s5 =	sshll.u32 s26, $0x1;
	_ =	strace $0x80000046;
	[dreg:$0x1] =	wrdreg $0xFFFFFFFF  }
0xa7: {  	s28 =	simm.s32 $_size_execute0_lowered;
	s3 =	sadd.s32 s3, s5;
	[dreg:$0x0] =	wrdreg $0x0  }
0xa8: {  	s5 =	sshll.u32 s28, $0x1;
	[dreg:$0x2] =	wrdreg s3  }
0xa9: {  	[dreg:$0x3] =	wrdreg s5  }
0xaa: {  	[dreg:$0x4] =	wrdreg $0xC0  }
0xab: {  	_ =	task [dreg:s7], $0x5FFFF  }
0xac: {  	[dreg:$0x1] =	wrdreg $0xFFFFFFFF  }
0xad: {  	[dreg:$0x0] =	wrdreg $0x60  }
0xae: {  	[dreg:$0x2] =	wrdreg s2  }
0xaf: {  	[dreg:$0x3] =	wrdreg s24  }
0xb0: {  	[dreg:$0x4] =	wrdreg $0x9  }
0xb1: {  	_ =	task.clear_ibuf [dreg:s7], $0x5FFFF;
	_ =	strace $0x90000046  }
0xb2: {  	s29 =	simm.s32 $0x9;
	_ =	strace $0x80000048  }
0xb3: {  	_ =	swait.ge [sflag:s29], $0x1  }
0xb4: {  	[sflag:s29] =	ssyncadd.s32 $0xFFFFFFFF  }
0xb5: {  	_ =	strace $0x90000048  }
0xb6: {  	_ =	sfence  }
0xb7: {  	s30 =	sld [smem:$0x0];
	_ =	sdelay $0x2  }
0xb8: {  	s31 =	sshll.u32 s1, $0xD;
	s1 =	sshrl.u32 s1, $0x2  }
0xb9: {  	s3 =	sand.u32 $0x4000, s31;
	s1 =	sadd.s32 s1, s30  }
0xba: {  	s0 =	sor.u32 s3, s0;
	s1 =	sshll.u32 s1, $0x11  }
0xbb: {  	s0 =	sor.u32 s1, s0  }
0xbc: {  	s0 =	sadd.s32 $0x8F2B, s0  }
0xbd: {  	[sflag:s0] =	ssyncadd.remote.s32 $0x1  }
0xbe: {  	_ =	sfence.sel $0xFFFF  }
0xbf: {  	[dreg:$0x0] =	wrdreg $0xFFFFFFFF;
	(pc) =	sbr.abs _section_cstart, $3  }
0xc0: {  	[dreg:$0x1] =	wrdreg $0xFFFFFFFF  }
0xc1: {  	_ =	task.clear_ibuf [dreg:s7], $0x2FFFF;
	_ =	strace $0x9FFFFFFF  }
0xc2: {  	(tm) =	ssettm $0x7FFFFFFF  }
0xc3: {  	_ =	shalt  }
tec
execute0_lowered:
.L_overlay_start_1:
0x0: {  	(tag) =	ssettag $0x1  }
0x1: {  	s1 =	srdreg.scid;
	s0 =	stileid.u32  }
0x2: {  	s10 =	sand.u32 $0x1, s1;
	s30 =	sshll.u32 s0, $0x1  }
0x3: {  	s2 =	rddreg [dreg:$0x0];
	s6 =	sor.u32 s10, s30  }
0x4: {  	s8 =	rddreg [dreg:$0x1];
	s4 =	smul.u32 $0x271, s6  }
0x5: {  	s3 =	simm.s32 $0x0;
	s1 =	rddreg [dreg:$0x2]  }
0x6: {  	[smem:$0x7FF] =	sst s3;
	s9 =	sadd.s32 s4, s8  }
0x7: {  	_ =	strace $0x80000047;
	s4 =	simm.s32 $0x2;
	s5 =	sadd.s32 $0x1E00, s9  }
0x8: {  	[tilespmem:s3], [sflag:$0x2] =	stream.linear.gather [hbm4b:s5+s3], $0x1388, $0x38;
	[tilespmem:$0x14C08] =	vst v63  }
0x9: {  	_ =	swait.ge [sflag:s4], $0x1388  }
0xa: {  	s7 =	simm.s32 $0x1;
	[sflag:s4] =	ssyncset.done $0x0  }
0xb: {  	s11 =	smul.u32 $0x2710, s6;
	s6 =	simm.s32 $0x1388;
	[sflag:s4] =	ssyncadd.s32 $0xFFFFEC78  }
0xc: {  	[tilespmem:s6], [sflag:$0x1] =	stream.indirect.gather [hbm4b:s2+s6], $0x10, s3, s6, $0xb8;
	[tilespmem:$0x14C08] =	vst v63  }
0xd: {  	_ =	swait.ge [sflag:s7], $0x13880  }
0xe: {  	s11 =	sadd.s32 s11, s8;
	[sflag:s7] =	ssyncset.done $0x0  }
0xf: {  	s8 =	sadd.s32 $0xBE00, s11;
	[sflag:s7] =	ssyncadd.s32 $0xFFFEC780  }
0x10: {  	[hbm4b:s8+s3] =	stream.linear.scatter [tilespmem:s6], [sflag:$0x2], $0x13880, $0x38;
	[tilespmem:$0x14C08] =	vst v63  }
0x11: {  	_ =	swait.ge [sflag:s4], $0x13880  }
0x12: {  	[sflag:s4] =	ssyncset.done $0x0  }
0x13: {  	s10 =	ssub.s32 $0x2, s10;
	s9 =	sadd.s32 $0x6E00, s9;
	[sflag:s4] =	ssyncadd.s32 $0xFFFEC780  }
0x14: {  	[tilespmem:s3], [sflag:$0x2] =	stream.linear.gather [hbm4b:s9+s3], $0x1388, $0x38;
	[tilespmem:$0x14C08] =	vst v63  }
0x15: {  	s12 =	sshrl.u32 s10, $0x1;
	_ =	swait.ge [sflag:s4], $0x1388  }
0x16: {  	s12 =	ssub.s32 s10, s12;
	[sflag:s4] =	ssyncset.done $0x0  }
0x17: {  	s31 =	smax.u32 s12, $0x1;
	[sflag:s4] =	ssyncadd.s32 $0xFFFFEC78  }
0x18: {  	[tilespmem:s6], [sflag:$0x1] =	stream.indirect.gather [hbm4b:s2+s6], $0x10, s3, s6, $0xb8;
	[tilespmem:$0x14C08] =	vst v63  }
0x19: {  	p0 =	sne.s32 s31, $0x1;
	_ =	swait.ge [sflag:s7], $0x13880  }
.Ltmp0:
0x1a: {  	[sflag:s7] =	ssyncset.done $0x0;
	(pc) =	sbr.rel @!p0 .LBB2_2-.Ltmp0, $4  }
0x1b: {  	s10 =	sadd.s32 $0x5A000, s11;
	[sflag:s7] =	ssyncadd.s32 $0xFFFEC780  }
0x1c: {  	[hbm4b:s10+s3] =	stream.linear.scatter [tilespmem:s6], [sflag:$0x2], $0x13880, $0x38;
	[tilespmem:$0x14C08] =	vst v63  }
0x1d: {  	_ =	swait.ge [sflag:s4], $0x13880  }
0x1e: {  	s11 =	sadd.s32 $0xFFFFFFFF, s31;
	[sflag:s4] =	ssyncset.done $0x0  }
.LBB2_1:
0x1f: {  	p0 =	sne.s32 s11, $0x1;
	s11 =	sadd.s32 $0xFFFFFFFF, s11;
	[sflag:s4] =	ssyncadd.s32 $0xFFFEC780  }
0x20: {  	[tilespmem:s3], [sflag:$0x2] =	stream.linear.gather [hbm4b:s5+s3], $0x1388, $0x38;
	[tilespmem:$0x14C08] =	vst v63  }
0x21: {  	_ =	swait.ge [sflag:s4], $0x1388  }
0x22: {  	[sflag:s4] =	ssyncset.done $0x0  }
0x23: {  	[sflag:s4] =	ssyncadd.s32 $0xFFFFEC78  }
0x24: {  	[tilespmem:s6], [sflag:$0x1] =	stream.indirect.gather [hbm4b:s2+s6], $0x10, s3, s6, $0xb8;
	[tilespmem:$0x14C08] =	vst v63  }
0x25: {  	_ =	swait.ge [sflag:s7], $0x13880  }
0x26: {  	[sflag:s7] =	ssyncset.done $0x0  }
0x27: {  	[sflag:s7] =	ssyncadd.s32 $0xFFFEC780  }
0x28: {  	[hbm4b:s8+s3] =	stream.linear.scatter [tilespmem:s6], [sflag:$0x2], $0x13880, $0x38;
	[tilespmem:$0x14C08] =	vst v63  }
0x29: {  	_ =	swait.ge [sflag:s4], $0x13880  }
0x2a: {  	[sflag:s4] =	ssyncset.done $0x0  }
0x2b: {  	[sflag:s4] =	ssyncadd.s32 $0xFFFEC780  }
0x2c: {  	[tilespmem:s3], [sflag:$0x2] =	stream.linear.gather [hbm4b:s9+s3], $0x1388, $0x38;
	[tilespmem:$0x14C08] =	vst v63  }
0x2d: {  	_ =	swait.ge [sflag:s4], $0x1388  }
0x2e: {  	[sflag:s4] =	ssyncset.done $0x0  }
0x2f: {  	[sflag:s4] =	ssyncadd.s32 $0xFFFFEC78  }
0x30: {  	[tilespmem:s6], [sflag:$0x1] =	stream.indirect.gather [hbm4b:s2+s6], $0x10, s3, s6, $0xb8;
	[tilespmem:$0x14C08] =	vst v63  }
0x31: {  	_ =	swait.ge [sflag:s7], $0x13880  }
.Ltmp1:
0x32: {  	[sflag:s7] =	ssyncset.done $0x0;
	(pc) =	sbr.rel @p0 .LBB2_1-.Ltmp1, $4  }
0x33: {  	[sflag:s7] =	ssyncadd.s32 $0xFFFEC780  }
0x34: {  	[hbm4b:s10+s3] =	stream.linear.scatter [tilespmem:s6], [sflag:$0x2], $0x13880, $0x38;
	[tilespmem:$0x14C08] =	vst v63  }
0x35: {  	_ =	swait.ge [sflag:s4], $0x13880  }
0x36: {  	[sflag:s4] =	ssyncset.done $0x0  }
.LBB2_2:
0x37: {  	[sflag:s4] =	ssyncadd.s32 $0xFFFEC780  }
0x38: {  	_ =	sfence.sel $0x180000  }
0x39: {  	[bflag:$0x0] =	sbarrier.arrive $0xFFFF  }
0x3a: {  	p0 =	sne.s32 s0, $0x0;
	_ =	strace $0x90000047  }
0x3b: {  	s0 =	sadd.s32 @!p0 $0x100000, s1;
	[bflag:$0x2] =	sbarrier.arrive $0xFFFF  }
0x3c: {  	[sflag:s0] =	ssyncadd.tile.s32 @!p0 $0x1;
	_ =	shalt  }
.Lfunc_end2:
_tile_overlayer_lowered:
.L_overlay_start_2:
0x3d: {  	(tag) =	ssettag $0x2  }
0x3e: {  	s0 =	rddreg [dreg:$0x0];
	s2 =	stileid.u32  }
0x3f: {  	s1 =	rddreg [dreg:$0x1];
	p0 =	sne.s32 s2, $0x0  }
0x40: {  	s3 =	rddreg [dreg:$0x2];
	[bflag:$0x3] =	sbarrier.arrive $0xFFFF;
	s2 =	simm.s32 @!p0 $0x1C02  }
0x41: {  	[timem:s3], [sflag:s2] =	dma.local @!p0 [hbm:s0], s1  }
0x42: {  	s0 =	simm.s32 @!p0 $0x2  }
0x43: {  	_ =	swait.ge @!p0 [sflag:s0], s1  }
0x44: {  	s1 =	ssub.s32 @!p0 $0x0, s1;
	[sflag:s0] =	ssyncset.done @!p0 $0x0  }
0x45: {  	[sflag:s0] =	ssyncadd.s32 @!p0 s1  }
0x46: {  	[bflag:$0x3] =	sbarrier.arrive $0xFFFF  }
0x47: {  	_ =	shalt  }

// kernel: kernel.9.cloned.1.call-start
scs
__scs_entry_jumppad:
0x0: {  	(pc) =	sbr.rel $0x88, $3  }
0x1: {  	(tag) =	ssettag $0x0;
	lr =	simm.s32 $0x1  }
0x2: {  	[smem:$0x3F9B] =	sst lr;
	_ =	strace $0xD0000000  }
0x3: {  	_ = 	snop  }
0x4: {  	_ = 	snop  }
0x5: {  	_ = 	snop  }
0x6: {  	_ = 	snop  }
0x7: {  	_ = 	snop  }
__scs_overlays_trampoline_lowered:
0x8: {  	[smem:$0x3FAA] =	sst s0  }
0x9: {  	[smem:$0x3FAB] =	sst s1  }
0xa: {  	[smem:$0x3FAC] =	sst s2  }
0xb: {  	[smem:$0x3FAD] =	sst s3  }
0xc: {  	[smem:$0x3FAE] =	sst s4  }
0xd: {  	[smem:$0x3FAF] =	sst s5  }
0xe: {  	[smem:$0x3FB0] =	sst s6  }
0xf: {  	[smem:$0x3FB1] =	sst s7  }
0x10: {  	[smem:$0x3FB2] =	sst s8  }
0x11: {  	[smem:$0x3FB3] =	sst s9;
	s0 =	simm.s32 @!p0 $0x0  }
0x12: {  	s1 =	sld [smem:$0x3F99];
	s0 =	simm.s32 @p0 $0x1  }
0x13: {  	[smem:$0x3FB4] =	sst s0;
	s0 =	simm.s32 @!p1 $0x0  }
0x14: {  	s2 =	sld [smem:$0x3F98];
	s0 =	simm.s32 @p1 $0x1  }
0x15: {  	[smem:$0x3FB5] =	sst s0;
	s0 =	simm.s32 @!p2 $0x0  }
0x16: {  	s3 =	sld [smem:$0x3FDB];
	s0 =	simm.s32 @p2 $0x1  }
0x17: {  	s4 =	simm.s32 $0x1BF5;
	[smem:$0x3FB7] =	sst s0  }
0x18: {  	s0 =	sld [smem:$0x3F9A];
	_ =	swait.ge [sflag:s4], $0x0  }
0x19: {  	s7 =	sld [smem:$0x3F9B]  }
0x1a: {  	s8 =	sadd.s32 $0xFFFFE003, lr  }
0x1b: {  	s9 =	sadd.s32 $0xFFFFFEF7, lr;
	s5 =	simm.s32 $0xFFFFFFFF;
	p2 =	slt.u32 s8, $0xFFFFF086  }
0x1c: {  	p1 =	slt.u32 s9, $0xF7A;
	s5 =	simm.s32 @!p2 $0x0  }
0x1d: {  	s5 =	simm.s32 @p1 $0x1;
	p0 =	seq.s32 s7, s2  }
0x1e: {  	s7 =	smul.u32 @!p0 $0xF7A, s2;
	p2 =	seq.s32 @!p0 s5, $0x0  }
0x1f: {  	s9 =	smul.u32 $0xF7A, s1;
	s8 =	simm.s32 @!p0 $0x1BF5;
	p2 =	por !p2, p0  }
0x20: {  	[sflag:s8] =	ssyncset.s32 @!p0 $0xFFFFF086;
	s6 =	sadd.s32 @!p0 s3, s7;
	s7 =	simm.s32 @!p0 $0x108  }
0x21: {  	s3 =	sadd.s32 s3, s9;
	s6 =	sadd.s32 @!p0 $0x88, s6;
	s7 =	simm.s32 @p2 $0x1082  }
0x22: {  	[simem:s7], [sflag:s8] =	dma.local @!p0 [hbm:s6], $0xF7A  }
0x23: {  	s9 =	sor.u32 $0xD0000000, s2;
	s6 =	simm.s32 $0x108;
	_ =	swait.ge @!p0 [sflag:s8], $0x0  }
0x24: {  	s3 =	sadd.s32 $0x88, s3;
	s6 =	simm.s32 @!p1 $0x1082;
	[sflag:s4] =	ssyncset.s32 $0xFFFFF086  }
0x25: {  	[simem:s6], [sflag:s4] =	dma.local [hbm:s3], $0xF7A  }
0x26: {  	[smem:$0x3F9B] =	sst s1;
	(tag) =	ssettag s2;
	_ =	strace s9  }
0x27: {  	s1 =	sld [smem:$0x3FAB]  }
0x28: {  	s2 =	sld [smem:$0x3FAC]  }
0x29: {  	s4 =	sld [smem:$0x3FAE]  }
0x2a: {  	p0 =	seq.s32 s5, $0x0;
	s5 =	sld [smem:$0x3FAF]  }
0x2b: {  	s6 =	sld [smem:$0x3FB0]  }
0x2c: {  	s7 =	sld [smem:$0x3FB1]  }
0x2d: {  	s3 =	simm.s32 $0x108;
	s8 =	sld [smem:$0x3FB2]  }
0x2e: {  	s3 =	simm.s32 @!p0 $0x1082;
	s9 =	sld [smem:$0x3FB3]  }
0x2f: {  	lr =	sadd.s32 s0, s3;
	s0 =	sld [smem:$0x3FAA]  }
0x30: {  	s3 =	sld [smem:$0x3FAD]  }
0x31: {  	[smem:$0x3FB6] =	sst s10  }
0x32: {  	s10 =	sld [smem:$0x3FB4];
	_ =	sdelay $0x3  }
0x33: {  	p0 =	seq.s32 s10, $0x1;
	s10 =	sld [smem:$0x3FB6];
	_ =	sdelay $0x3  }
0x34: {  	[smem:$0x3FB6] =	sst s10  }
0x35: {  	s10 =	sld [smem:$0x3FB5];
	_ =	sdelay $0x3  }
0x36: {  	p1 =	seq.s32 s10, $0x1;
	s10 =	sld [smem:$0x3FB6];
	_ =	sdelay $0x3  }
0x37: {  	[smem:$0x3FB6] =	sst s10  }
0x38: {  	s10 =	sld [smem:$0x3FB7]  }
0x39: {  	_ = 	snop;
	(pc) =	sbr.ind lr, $3  }
0x3a: {  	_ = 	snop  }
0x3b: {  	_ = 	snop  }
0x3c: {  	p2 =	seq.s32 s10, $0x1;
	s10 =	sld [smem:$0x3FB6]  }
0x3d: {  	_ =	shalt  }
0x3e: {  	_ =	shalt  }
0x3f: {  	_ =	shalt  }
0x40: {  	_ =	shalt  }
0x41: {  	_ =	shalt  }
0x42: {  	_ =	shalt  }
0x43: {  	_ =	shalt  }
0x44: {  	_ =	shalt  }
0x45: {  	_ =	shalt  }
0x46: {  	_ =	shalt  }
0x47: {  	_ =	shalt  }
0x48: {  	_ =	shalt  }
0x49: {  	_ =	shalt  }
0x4a: {  	_ =	shalt  }
0x4b: {  	_ =	shalt  }
0x4c: {  	_ =	shalt  }
0x4d: {  	_ =	shalt  }
0x4e: {  	_ =	shalt  }
0x4f: {  	_ =	shalt  }
0x50: {  	_ =	shalt  }
0x51: {  	_ =	shalt  }
0x52: {  	_ =	shalt  }
0x53: {  	_ =	shalt  }
0x54: {  	_ =	shalt  }
0x55: {  	_ =	shalt  }
0x56: {  	_ =	shalt  }
0x57: {  	_ =	shalt  }
0x58: {  	_ =	shalt  }
0x59: {  	_ =	shalt  }
0x5a: {  	_ =	shalt  }
0x5b: {  	_ =	shalt  }
0x5c: {  	_ =	shalt  }
0x5d: {  	_ =	shalt  }
0x5e: {  	_ =	shalt  }
0x5f: {  	_ =	shalt  }
0x60: {  	_ =	shalt  }
0x61: {  	_ =	shalt  }
0x62: {  	_ =	shalt  }
0x63: {  	_ =	shalt  }
0x64: {  	_ =	shalt  }
0x65: {  	_ =	shalt  }
0x66: {  	_ =	shalt  }
0x67: {  	_ =	shalt  }
0x68: {  	_ =	shalt  }
0x69: {  	_ =	shalt  }
0x6a: {  	_ =	shalt  }
0x6b: {  	_ =	shalt  }
0x6c: {  	_ =	shalt  }
0x6d: {  	_ =	shalt  }
0x6e: {  	_ =	shalt  }
0x6f: {  	_ =	shalt  }
0x70: {  	_ =	shalt  }
0x71: {  	_ =	shalt  }
0x72: {  	_ =	shalt  }
0x73: {  	_ =	shalt  }
0x74: {  	_ =	shalt  }
0x75: {  	_ =	shalt  }
0x76: {  	_ =	shalt  }
0x77: {  	_ =	shalt  }
0x78: {  	_ =	shalt  }
0x79: {  	_ =	shalt  }
0x7a: {  	_ =	shalt  }
0x7b: {  	_ =	shalt  }
0x7c: {  	_ =	shalt  }
0x7d: {  	_ =	shalt  }
0x7e: {  	_ =	shalt  }
0x7f: {  	_ =	shalt  }
0x80: {  	_ =	shalt  }
0x81: {  	_ =	shalt  }
0x82: {  	_ =	shalt  }
0x83: {  	_ =	shalt  }
0x84: {  	_ =	shalt  }
0x85: {  	_ =	shalt  }
0x86: {  	_ =	shalt  }
0x87: {  	_ =	shalt  }
.Lfunc_end0:
.L_simem_size_0:
called_computation.1_lowered:
.L_overlay_start_0:
0x88: {  	s2 =	sld [smem:$0x3FD9]  }
0x89: {  	s3 =	sld [smem:$0x3FFE];
	_ =	sdelay $0x1  }
0x8a: {  	s1 =	srdreg.scid  }
0x8b: {  	s0 =	sand.u32 $0x1, s1  }
0x8c: {  	s17 =	sshll.u32 s0, $0xA;
	s2 =	sadd.s32 s3, s2  }
0x8d: {  	s2 =	sadd.s32 s2, s17  }
0x8e: {  	[smem:$0x3FC2] =	sst s2  }
0x8f: {  	_ = 	snop  }
0x90: {  	s2 =	sld [smem:$0x3FD0];
	(tm) =	ssettm $0x1  }
0x91: {  	s18 =	sld [smem:$0x3FFB];
	_ =	sdelay $0x3  }
0x92: {  	_ =	strace s18  }
0x93: {  	s3 =	sld [smem:$0x3FFC];
	_ =	sdelay $0x3  }
0x94: {  	_ =	strace s3  }
0x95: {  	s3 =	sld [smem:$0x3FFD];
	_ =	sdelay $0x3  }
0x96: {  	_ =	strace s3  }
0x97: {  	_ =	strace $0x8FFFFFFF  }
0x98: {  	s19 =	sld [smem:$0x3FDB];
	_ =	sdelay $0x1  }
0x99: {  	s4 =	simm.s32 $_scs_section_size  }
0x9a: {  	s5 =	simm.s32 $_size__tile_overlayer_lowered;
	s6 =	simm.s32 $_tile_overlayer_lowered  }
0x9b: {  	s22 =	simm.s32 $0x1BFF;
	s21 =	sshll.u32 s6, $0x1;
	s3 =	sadd.s32 s4, s19  }
0x9c: {  	s7 =	simm.s32 $0x0;
	s20 =	sshll.u32 s5, $0x1;
	s5 =	sadd.s32 s21, s3  }
0x9d: {  	[timem:s7], [sflag:s22] =	dma.local [hbm:s5], s20  }
0x9e: {  	_ =	swait.ge [sflag:s22], s20  }
0x9f: {  	s4 =	ssub.s32 $0x0, s20;
	[sflag:s22] =	ssyncset.done $0x0  }
0xa0: {  	[sflag:s22] =	ssyncadd.s32 s4;
	_ =	sdelay $0x1  }
0xa1: {  	s23 =	simm.s32 $0x1B8B  }
0xa2: {  	_ =	swait.ge [sflag:s23], $0x1  }
0xa3: {  	[sflag:s23] =	ssyncset.done $0x0  }
0xa4: {  	s25 =	simm.s32 $0x1B8E;
	s24 =	sld [smem:$0x3FFE];
	[sflag:s23] =	ssyncadd.s32 $0xFFFFFFFF  }
0xa5: {  	s26 =	simm.s32 $execute0_lowered;
	[smem:$0x3FD2] =	sst s25  }
0xa6: {  	s5 =	sshll.u32 s26, $0x1;
	_ =	strace $0x80000049;
	[dreg:$0x1] =	wrdreg $0xFFFFFFFF  }
0xa7: {  	s28 =	simm.s32 $_size_execute0_lowered;
	s3 =	sadd.s32 s3, s5;
	[dreg:$0x0] =	wrdreg $0x0  }
0xa8: {  	s5 =	sshll.u32 s28, $0x1;
	[dreg:$0x2] =	wrdreg s3  }
0xa9: {  	[dreg:$0x3] =	wrdreg s5  }
0xaa: {  	[dreg:$0x4] =	wrdreg $0xC0  }
0xab: {  	_ =	task [dreg:s7], $0x5FFFF  }
0xac: {  	[dreg:$0x1] =	wrdreg $0xFFFFFFFF  }
0xad: {  	[dreg:$0x0] =	wrdreg $0x60  }
0xae: {  	[dreg:$0x2] =	wrdreg s24  }
0xaf: {  	[dreg:$0x3] =	wrdreg s2  }
0xb0: {  	[dreg:$0x4] =	wrdreg $0x14C080  }
0xb1: {  	[dreg:$0x5] =	wrdreg $0x9  }
0xb2: {  	_ =	task.clear_ibuf [dreg:s7], $0x6FFFF;
	_ =	strace $0x90000049  }
0xb3: {  	s29 =	simm.s32 $0x9;
	_ =	strace $0x8000004B  }
0xb4: {  	_ =	swait.ge [sflag:s29], $0x1  }
0xb5: {  	[sflag:s29] =	ssyncadd.s32 $0xFFFFFFFF  }
0xb6: {  	_ =	strace $0x9000004B  }
0xb7: {  	_ =	sfence  }
0xb8: {  	s30 =	sld [smem:$0x0];
	_ =	sdelay $0x2  }
0xb9: {  	s31 =	sshll.u32 s1, $0xD;
	s1 =	sshrl.u32 s1, $0x2  }
0xba: {  	s3 =	sand.u32 $0x4000, s31;
	s1 =	sadd.s32 s1, s30  }
0xbb: {  	s0 =	sor.u32 s3, s0;
	s1 =	sshll.u32 s1, $0x11  }
0xbc: {  	s0 =	sor.u32 s1, s0  }
0xbd: {  	s0 =	sadd.s32 $0x8F2B, s0  }
0xbe: {  	[sflag:s0] =	ssyncadd.remote.s32 $0x1  }
0xbf: {  	_ =	sfence.sel $0xFFFF  }
0xc0: {  	[dreg:$0x0] =	wrdreg $0xFFFFFFFF;
	(pc) =	sbr.abs _section_cstart, $3  }
0xc1: {  	[dreg:$0x1] =	wrdreg $0xFFFFFFFF  }
0xc2: {  	_ =	task.clear_ibuf [dreg:s7], $0x2FFFF;
	_ =	strace $0x9FFFFFFF  }
0xc3: {  	(tm) =	ssettm $0x7FFFFFFF  }
tec
execute0_lowered:
.L_overlay_start_1:
0x0: {  	(tag) =	ssettag $0x1  }
0x1: {  	s0 =	srdreg.scid;
	s4 =	rddreg [dreg:$0x0]  }
0x2: {  	s11 =	stileid.u32;
	s1 =	rddreg [dreg:$0x1]  }
0x3: {  	s2 =	rddreg [dreg:$0x2];
	s3 =	simm.s32 $0x0;
	s13 =	simm.s32 $0x0  }
0x4: {  	s5 =	sand.u32 $0x1, s0;
	s31 =	sshll.u32 s11, $0x1;
	s0 =	rddreg [dreg:$0x3]  }
0x5: {  	[smem:$0x7FF] =	sst s3;
	s9 =	smul.u32 $0x2710, s11;
	p0 =	sne.s32 s11, $0x0  }
0x6: {  	s11 =	sshll.u32 s11, $0x6;
	s6 =	sor.u32 s5, s31;
	s8 =	smul.u32 $0x27100, s5  }
0x7: {  	_ =	strace $0x8000004A;
	s5 =	ssub.s32 $0x2, s5;
	s7 =	smul.u32 $0x2710, s6  }
0x8: {  	s11 =	sor.u32 $0x1C01, s11;
	s6 =	smul.u32 $0x271, s6;
	s10 =	sshrl.u32 s5, $0x1  }
0x9: {  	s12 =	sadd.s32 s9, s2;
	s8 =	sadd.s32 s9, s8;
	s10 =	ssub.s32 s5, s10  }
0xa: {  	s9 =	simm.s32 $0x1;
	s12 =	sshrl.u32 s12, $0x3;
	s8 =	sshrl.u32 s8, $0x3  }
0xb: {  	s7 =	sadd.s32 s7, s4;
	s6 =	sadd.s32 s6, s4;
	s8 =	sadd.s32 s8, s4  }
0xc: {  	s4 =	sadd.s32 $0x6E00, s6;
	s5 =	sadd.s32 $0xBE00, s7;
	s7 =	smax.u32 s10, $0x1  }
0xd: {  	s10 =	simm.s32 $0x28;
	s6 =	sadd.s32 $0x5A000, s8;
	s8 =	sshrl.u32 @!p0 s2, $0x3  }
.LBB2_1:
0xe: {  	s14 =	simm.s32 @!p0 $0x1C01  }
0xf: {  	[spmem:s8], [sflag:s14] =	dma.local @!p0 [hbm:s1], $0x4E20  }
0x10: {  	s14 =	simm.s32 @!p0 $0x1  }
0x11: {  	_ =	swait.ge @!p0 [sflag:s14], $0x4E20  }
0x12: {  	[sflag:s14] =	ssyncset.done @!p0 $0x0  }
0x13: {  	[sflag:s14] =	ssyncadd.s32 @!p0 $0xFFFFB1E0  }
0x14: {  	[tilespmem:s3], [sflag:$0x1] =	stream.linear.gather [hbm4b:s4+s3], $0x1388, $0x38;
	[tilespmem:$0x17318] =	vst v63  }
0x15: {  	_ =	swait.ge [sflag:s9], $0x1388  }
0x16: {  	[sflag:s9] =	ssyncset.done $0x0  }
0x17: {  	s14 =	simm.s32 $0x1388;
	[sflag:s9] =	ssyncadd.s32 $0xFFFFEC78  }
0x18: {  	[tilespmem:s14], [sflag:$0x1] =	stream.linear.gather [hbm4b:s5+s3], $0x13880, $0x38;
	[tilespmem:$0x17318] =	vst v63  }
0x19: {  	_ =	swait.ge [sflag:s9], $0x13880  }
0x1a: {  	[sflag:s9] =	ssyncset.done $0x0  }
0x1b: {  	[sflag:s9] =	ssyncadd.s32 $0xFFFEC780  }
0x1c: {  	s15 =	simm.s32 $0x0;
	[bflag:$0x0] =	sbarrier.arrive $0xFFFF  }
0x1d: {  	[spmem:s2] =	stream.indirect.scatter.add.f32 [tilespmem:s14], [sflag:$0x1], $0x10, s15, s10, $0xb8;
	[tilespmem:$0x17318] =	vst v63  }
0x1e: {  	_ =	swait.ge [sflag:s9], $0x280  }
0x1f: {  	s15 =	simm.s32 $0xA0;
	[sflag:s9] =	ssyncset.done $0x0  }
.LBB2_2:
0x20: {  	s16 =	sshra.s32 s15, $0x2  }
0x21: {  	[sflag:s9] =	ssyncadd.s32 $0xFFFFFD80;
	s14 =	sadd.s32 $0x280, s14;
	p1 =	sne.s32 s15, $0x4D80  }
0x22: {  	[spmem:s2] =	stream.indirect.scatter.add.f32 [tilespmem:s14], [sflag:$0x1], $0x10, s16, s10, $0xb8;
	[tilespmem:$0x17318] =	vst v63  }
.Ltmp0:
0x23: {  	_ = 	snop;
	(pc) =	sbr.rel @p1 .LBB2_2-.Ltmp0, $4  }
0x24: {  	_ = 	snop  }
0x25: {  	s15 =	sadd.s32 $0xA0, s15  }
0x26: {  	_ =	swait.ge [sflag:s9], $0x280  }
0x27: {  	[sflag:s9] =	ssyncset.done $0x0  }
0x28: {  	s13 =	sadd.s32 $0x1, s13  }
0x29: {  	[sflag:s9] =	ssyncadd.s32 $0xFFFFFD80;
	p1 =	sne.s32 s13, s7  }
.Ltmp1:
0x2a: {  	[bflag:$0x0] =	sbarrier.arrive $0xFFFF;
	(pc) =	sbr.rel @p1 .LBB2_1-.Ltmp1, $4  }
0x2b: {  	[hbm:s6], [sflag:s11] =	dma.local [spmem:s12], $0x4E2  }
0x2c: {  	_ =	swait.ge [sflag:s9], $0x4E2  }
0x2d: {  	[sflag:s9] =	ssyncset.done $0x0  }
0x2e: {  	[sflag:s9] =	ssyncadd.s32 $0xFFFFFB1E  }
0x2f: {  	_ =	sfence.sel $0x180000  }
0x30: {  	[bflag:$0x0] =	sbarrier.arrive $0xFFFF  }
0x31: {  	_ =	strace $0x9000004A  }
0x32: {  	s0 =	sadd.s32 @!p0 $0x100000, s0;
	[bflag:$0x2] =	sbarrier.arrive $0xFFFF  }
0x33: {  	[sflag:s0] =	ssyncadd.tile.s32 @!p0 $0x1;
	_ =	shalt  }
.Lfunc_end2:
_tile_overlayer_lowered:
.L_overlay_start_2:
0x34: {  	(tag) =	ssettag $0x2  }
0x35: {  	s0 =	rddreg [dreg:$0x0];
	s2 =	stileid.u32  }
0x36: {  	s1 =	rddreg [dreg:$0x1];
	p0 =	sne.s32 s2, $0x0  }
0x37: {  	s3 =	rddreg [dreg:$0x2];
	[bflag:$0x3] =	sbarrier.arrive $0xFFFF;
	s2 =	simm.s32 @!p0 $0x1C01  }
0x38: {  	[timem:s3], [sflag:s2] =	dma.local @!p0 [hbm:s0], s1  }
0x39: {  	s0 =	simm.s32 @!p0 $0x1  }
0x3a: {  	_ =	swait.ge @!p0 [sflag:s0], s1  }
0x3b: {  	s1 =	ssub.s32 @!p0 $0x0, s1;
	[sflag:s0] =	ssyncset.done @!p0 $0x0  }
0x3c: {  	[sflag:s0] =	ssyncadd.s32 @!p0 s1  }
0x3d: {  	[bflag:$0x3] =	sbarrier.arrive $0xFFFF  }
0x3e: {  	_ =	shalt  }

</sc_bundles>
